<compile_context>
chip_gen: v7x
topology: tpu7x:2x2x1
jax: 0.10.2.dev20260603
libtpu: 0.0.44.dev20260713+nightly
codegen_flags: <defaults>
</compile_context>

<pallas_src>
import functools

import numpy as np
import jax
import jax.numpy as jnp
from jax.experimental import pallas as pl
from jax.experimental.pallas import tpu as pltpu

_DIM_IN = 32
_DIM = 64
_HID = 256
_PK = 4
_LN = _PK * _DIM_IN
_TN = 4000
_TR = _TN // _PK


def _penc_consts(tn):
    ch = _DIM_IN
    exps = np.arange(0, ch, 2, dtype=np.float32) / np.float32(ch)
    inv_freq = (1.0 / (np.float32(10000.0) ** exps)).astype(np.float64)
    freq_row = np.repeat(inv_freq, 2).reshape(1, ch)
    sin_mask = ((np.arange(ch) % 2) == 0).reshape(1, ch)
    s = np.arange(tn, dtype=np.float64).reshape(tn, 1)
    ang = s * freq_row
    s_tab = np.sin(ang).astype(np.float32).reshape(tn // _PK, _LN)
    c_tab = np.cos(ang).astype(np.float32).reshape(tn // _PK, _LN)
    freq_p = np.tile(freq_row, (1, _PK)).astype(np.float32)
    mask_p = np.tile(sin_mask, (1, _PK)).astype(np.float32)
    g = np.arange(_LN) // _DIM_IN
    bd = (g[:, None] == g[None, :]).astype(np.float32) / np.float32(_DIM)
    return freq_p, mask_p, s_tab, c_tab, bd.astype(np.float32)


_FREQ_P, _MASK_P, _S_TAB, _C_TAB, _BD_ONES = _penc_consts(_TN)


def _ss_kernel(t_ref, wss_ref, bss_ref, wo_ref, wob_ref, bias_ref):
    tt = t_ref[...]
    st = tt * jax.lax.logistic(tt)
    ss = (jax.lax.dot_general(st, wss_ref[...], (((1,), (0,)), ((), ())),
                              preferred_element_type=jnp.float32)
          + bss_ref[...])
    b = ss.shape[0]
    sc1 = ss[:, :_HID] + 1.0
    sh = ss[:, _HID:]
    r = jax.lax.broadcasted_iota(jnp.int32, (_HID, _HID), 0)
    c = jax.lax.broadcasted_iota(jnp.int32, (_HID, _HID), 1)
    eye = (r == c).astype(jnp.float32)
    wo = wo_ref[...]
    for i in range(b):
        row = jax.lax.slice(sc1, (i, 0), (i + 1, _HID))
        diag = eye * jnp.broadcast_to(row, (_HID, _HID))
        wob_ref[i] = jax.lax.dot_general(
            diag, wo, (((1,), (0,)), ((), ())),
            preferred_element_type=jnp.float32)
    bias_ref[...] = jax.lax.dot_general(
        sh, wo, (((1,), (0,)), ((), ())),
        preferred_element_type=jnp.float32)


def _ffn_kernel(x_ref, wx_ref, wp_ref, wob_ref, bias_ref, freq_ref, mask_ref,
                stab_ref, ctab_ref, bd_ref, o_ref, *, tn):
    j = pl.program_id(1)
    xp = x_ref[0]

    base = (j * tn).astype(jnp.float32) * freq_ref[...]
    sb = jnp.sin(base)
    cb = jnp.cos(base)
    mask = mask_ref[...]
    a_row = mask * sb + (1.0 - mask) * cb
    b_row = mask * cb - (1.0 - mask) * sb
    penc = a_row * ctab_ref[...] + b_row * stab_ref[...]

    nrm2 = jax.lax.dot_general((xp * xp).astype(jnp.bfloat16), bd_ref[...],
                               (((1,), (0,)), ((), ())),
                               preferred_element_type=jnp.float32)
    inv = jax.lax.rsqrt(nrm2 + jnp.float32(_DIM_IN / 2 / _DIM))

    xn = (xp * inv).astype(jnp.bfloat16)
    pn = (penc * inv).astype(jnp.bfloat16)

    wx = wx_ref[...]
    wp = wp_ref[...]
    wob = wob_ref[0]
    outs = []
    for g in range(_PK):
        lo = g * _DIM_IN
        xg = jax.lax.slice(xn, (0, lo), (xn.shape[0], lo + _DIM_IN))
        pg = jax.lax.slice(pn, (0, lo), (pn.shape[0], lo + _DIM_IN))
        h = jax.lax.dot_general(xg, wx, (((1,), (0,)), ((), ())),
                                preferred_element_type=jnp.float32)
        h = h + jax.lax.dot_general(pg, wp, (((1,), (0,)), ((), ())),
                                    preferred_element_type=jnp.float32)
        h = h * (0.5 + 0.5 * jnp.tanh(0.5 * h))
        outs.append(jax.lax.dot_general(h.astype(jnp.bfloat16), wob,
                                        (((1,), (0,)), ((), ())),
                                        preferred_element_type=jnp.float32))
    o_ref[0] = jnp.concatenate(outs, axis=1) + bias_ref[0]


def kernel(x, t, w_in, w_out, w_ss, b_ss):
    b, n, c = x.shape
    hid2 = w_ss.shape[1]
    wob, bias = pl.pallas_call(
        _ss_kernel,
        out_shape=(jax.ShapeDtypeStruct((b, _HID, _DIM), jnp.float32),
                   jax.ShapeDtypeStruct((b, _DIM), jnp.float32)),
    )(t, w_ss, b_ss.reshape(1, hid2), w_out)
    biasp = jnp.tile(bias, (1, _PK)).reshape(b, 1, _PK * _DIM)

    xp = x.reshape(b, n // _PK, _LN)
    nb = n // _TN
    outp = pl.pallas_call(
        functools.partial(_ffn_kernel, tn=_TN),
        grid=(b, nb),
        in_specs=[
            pl.BlockSpec((1, _TR, _LN), lambda i, j: (i, j, 0)),
            pl.BlockSpec((c, _HID), lambda i, j: (0, 0)),
            pl.BlockSpec((c, _HID), lambda i, j: (0, 0)),
            pl.BlockSpec((1, _HID, _DIM), lambda i, j: (i, 0, 0)),
            pl.BlockSpec((1, 1, _PK * _DIM), lambda i, j: (i, 0, 0)),
            pl.BlockSpec((1, _LN), lambda i, j: (0, 0)),
            pl.BlockSpec((1, _LN), lambda i, j: (0, 0)),
            pl.BlockSpec((_TR, _LN), lambda i, j: (0, 0)),
            pl.BlockSpec((_TR, _LN), lambda i, j: (0, 0)),
            pl.BlockSpec((_LN, _LN), lambda i, j: (0, 0)),
        ],
        out_specs=pl.BlockSpec((1, _TR, _PK * _DIM), lambda i, j: (i, j, 0)),
        out_shape=jax.ShapeDtypeStruct((b, n // _PK, _PK * _DIM), jnp.float32),
        compiler_params=pltpu.CompilerParams(
            dimension_semantics=("parallel", "arbitrary")),
    )(xp, w_in[:c].astype(jnp.bfloat16), w_in[c:].astype(jnp.bfloat16),
      wob.astype(jnp.bfloat16), biasp,
      jnp.asarray(_FREQ_P), jnp.asarray(_MASK_P),
      jnp.asarray(_S_TAB), jnp.asarray(_C_TAB),
      jnp.asarray(_BD_ONES).astype(jnp.bfloat16))
    return outp.reshape(b, n, _DIM)

# --- scband reference (transcript-rebuilt; emitter-appended) ---
"""Pipeline reference for scband-uvit-1803886265727 (READ-ONLY COPY).

The authoritative reference and input builder live on the scoring server;
editing this copy changes nothing except your own understanding.
"""

import jax, jax.numpy as jnp
import numpy as np

B, N, DIM_IN = 4, 100000, 32
PE_CH = int(np.ceil(DIM_IN / 2) * 2)
DIM = DIM_IN + DIM_IN  # concat of features + positional encoding slice
HID = DIM * 4
COND = 512


def setup_inputs(seed: int = 0) -> dict:
    key = jax.random.key(seed)
    k1, k2, k3, k4 = jax.random.split(key, 4)
    x = jax.random.normal(k1, (B, N, DIM_IN), dtype=jnp.float32)
    t = jax.random.normal(k2, (B, COND), dtype=jnp.float32)
    w_in = jax.random.normal(k3, (DIM, HID), dtype=jnp.float32) * 0.02
    w_out = jax.random.normal(k4, (HID, DIM), dtype=jnp.float32) * 0.02
    # to_scale_shift linear is zero-initialized in the original module
    w_ss = jnp.zeros((COND, HID * 2), dtype=jnp.float32)
    b_ss = jnp.zeros((HID * 2,), dtype=jnp.float32)
    return {"x": x, "t": t, "w_in": w_in, "w_out": w_out, "w_ss": w_ss, "b_ss": b_ss}


def _pos_enc_1d(batch, n, orig_ch, dtype):
    # PositionalEncoding1D: interleaved sin/cos over sequence positions
    channels = int(np.ceil(orig_ch / 2) * 2)
    inv_freq = 1.0 / (10000.0 ** (jnp.arange(0, channels, 2, dtype=jnp.float32) / channels))
    pos_x = jnp.arange(n, dtype=jnp.float32)
    sin_inp = pos_x[:, None] * inv_freq[None, :]
    emb = jnp.stack([jnp.sin(sin_inp), jnp.cos(sin_inp)], axis=-1).reshape(n, channels)
    penc = jnp.broadcast_to(emb[None, :, :orig_ch], (batch, n, orig_ch)).astype(dtype)
    return penc


def reference(x, t, w_in, w_out, w_ss, b_ss):
    b, n, c = x.shape
    # PositionalEncoding1D.forward: concat input with positional encoding
    penc = _pos_enc_1d(b, n, c, x.dtype)
    h0 = jnp.concatenate([x, penc], axis=-1)  # [B, N, 2*C]
    d = h0.shape[-1]
    # FeedForward.forward
    # RMSNorm(dim, scale=False): L2-normalize * sqrt(dim)
    norm = jnp.clip(jnp.linalg.norm(h0, axis=-1, keepdims=True), 1e-12)
    h = h0 / norm * (float(d) ** 0.5)
    # proj_in: Linear(dim, dim_hidden, bias=False) + SiLU
    h = jax.nn.silu(h @ w_in)
    # to_scale_shift: SiLU -> Linear(cond_dim, dim_hidden*2) -> rearrange b d -> b 1 d
    ss = jax.nn.silu(t) @ w_ss + b_ss
    ss = ss[:, None, :]
    scale, shift = jnp.split(ss, 2, axis=-1)
    h = h * (scale + 1.0) + shift
    # proj_out: Dropout (inference no-op) -> Linear(dim_hidden, dim, bias=False)
    return h @ w_out

if __name__ == "__main__":
    import jax
    _d = setup_inputs()
    print(jax.jit(kernel)(*tuple(_d.values())))

</pallas_src>

<mosaic_0001>
module attributes {stable_mosaic.version = 14 : i64} {
  func.func @_ss_kernel(%arg0: memref<4x512xf32, #tpu.memory_space<vmem>>, %arg1: memref<512x512xf32, #tpu.memory_space<vmem>>, %arg2: memref<1x512xf32, #tpu.memory_space<vmem>>, %arg3: memref<256x64xf32, #tpu.memory_space<vmem>>, %arg4: memref<4x256x64xf32, #tpu.memory_space<vmem>>, %arg5: memref<4x64xf32, #tpu.memory_space<vmem>>) attributes {dimension_semantics = [], scalar_prefetch = 0 : i64, scratch_operands = 0 : i64, tpu.core_type = #tpu.core_type<tc>} {
    %get3A = arith.constant 0 : index
    %get3A_0 = arith.constant 0 : index
    %get3A_1 = vector.load %arg0[%get3A, %get3A_0] : memref<4x512xf32, #tpu.memory_space<vmem>>, vector<4x512xf32>
    %logistic3A = arith.negf %get3A_1 : vector<4x512xf32>
    %logistic3A_2 = math.exp %logistic3A : vector<4x512xf32>
    %logistic3A_3 = arith.constant 1.000000e+00 : f32
    %logistic3A_4 = vector.broadcast %logistic3A_3 : f32 to vector<4x512xf32>
    %logistic3A_5 = arith.addf %logistic3A_4, %logistic3A_2 : vector<4x512xf32>
    %logistic3A_6 = arith.divf %logistic3A_4, %logistic3A_5 : vector<4x512xf32>
    %mul3A = arith.mulf %get3A_1, %logistic3A_6 : vector<4x512xf32>
    %get3A_7 = arith.constant 0 : index
    %get3A_8 = arith.constant 0 : index
    %get3A_9 = vector.load %arg1[%get3A_7, %get3A_8] : memref<512x512xf32, #tpu.memory_space<vmem>>, vector<512x512xf32>
    %dot_general3A = arith.constant dense<0.000000e+00> : vector<4x512xf32>
    %dot_general3A_10 = tpu.matmul %mul3A, %get3A_9, %dot_general3A {dimension_numbers = #tpu.dot_dimension_numbers<[1], [0], [0], [1], [0, 0, 1, 1], [], []>, transpose_lhs_hint = false} : vector<4x512xf32>, vector<512x512xf32>, vector<4x512xf32> -> vector<4x512xf32>
    %get3A_11 = arith.constant 0 : index
    %get3A_12 = arith.constant 0 : index
    %get3A_13 = vector.load %arg2[%get3A_11, %get3A_12] : memref<1x512xf32, #tpu.memory_space<vmem>>, vector<1x512xf32>
    %add3A = vector.broadcast %get3A_13 : vector<1x512xf32> to vector<4x512xf32>
    %add3A_14 = arith.addf %dot_general3A_10, %add3A : vector<4x512xf32>
    %slice3A = vector.extract_strided_slice %add3A_14 {offsets = [0, 0], sizes = [4, 256], strides = [1, 1]} : vector<4x512xf32> to vector<4x256xf32>
    %add3A_15 = arith.constant 1.000000e+00 : f32
    %add3A_16 = vector.broadcast %add3A_15 : f32 to vector<4x256xf32>
    %add3A_17 = arith.addf %slice3A, %add3A_16 : vector<4x256xf32>
    %slice3A_18 = vector.extract_strided_slice %add3A_14 {offsets = [0, 256], sizes = [4, 256], strides = [1, 1]} : vector<4x512xf32> to vector<4x256xf32>
    %iota3A = tpu.iota {dimensions = array<i32: 0>} : vector<256x256xi32>
    %iota3A_19 = tpu.iota {dimensions = array<i32: 1>} : vector<256x256xi32>
    %eq3A = arith.cmpi eq, %iota3A, %iota3A_19 : vector<256x256xi32>
    %convert_element_type3A = arith.extui %eq3A : vector<256x256xi1> to vector<256x256xi32>
    %convert_element_type3A_20 = arith.sitofp %convert_element_type3A : vector<256x256xi32> to vector<256x256xf32>
    %get3A_21 = arith.constant 0 : index
    %get3A_22 = arith.constant 0 : index
    %get3A_23 = vector.load %arg3[%get3A_21, %get3A_22] : memref<256x64xf32, #tpu.memory_space<vmem>>, vector<256x64xf32>
    %slice3A_24 = vector.extract_strided_slice %add3A_17 {offsets = [0, 0], sizes = [1, 256], strides = [1, 1]} : vector<4x256xf32> to vector<1x256xf32>
    %broadcast_in_dim3A = vector.shape_cast %slice3A_24 : vector<1x256xf32> to vector<1x256xf32>
    %broadcast_in_dim3A_25 = vector.broadcast %broadcast_in_dim3A : vector<1x256xf32> to vector<256x256xf32>
    %mul3A_26 = arith.mulf %convert_element_type3A_20, %broadcast_in_dim3A_25 : vector<256x256xf32>
    %dot_general3A_27 = arith.constant dense<0.000000e+00> : vector<256x64xf32>
    %dot_general3A_28 = tpu.matmul %mul3A_26, %get3A_23, %dot_general3A_27 {dimension_numbers = #tpu.dot_dimension_numbers<[1], [0], [0], [1], [0, 0, 1, 1], [], []>, transpose_lhs_hint = false} : vector<256x256xf32>, vector<256x64xf32>, vector<256x64xf32> -> vector<256x64xf32>
    %swap3A = arith.constant 0 : index
    %swap3A_29 = arith.constant 0 : index
    %swap3A_30 = arith.constant 0 : index
    %swap3A_31 = vector.load %arg4[%swap3A, %swap3A_29, %swap3A_30] : memref<4x256x64xf32, #tpu.memory_space<vmem>>, vector<1x256x64xf32>
    %swap3A_32 = vector.shape_cast %swap3A_31 : vector<1x256x64xf32> to vector<256x64xf32>
    %swap3A_33 = vector.shape_cast %dot_general3A_28 : vector<256x64xf32> to vector<1x256x64xf32>
    tpu.vector_store %arg4[%swap3A, %swap3A_29, %swap3A_30], %swap3A_33 {strides = array<i32>} : memref<4x256x64xf32, #tpu.memory_space<vmem>>, vector<1x256x64xf32>,
    %slice3A_34 = vector.extract_strided_slice %add3A_17 {offsets = [1, 0], sizes = [1, 256], strides = [1, 1]} : vector<4x256xf32> to vector<1x256xf32>
    %broadcast_in_dim3A_35 = vector.shape_cast %slice3A_34 : vector<1x256xf32> to vector<1x256xf32>
    %broadcast_in_dim3A_36 = vector.broadcast %broadcast_in_dim3A_35 : vector<1x256xf32> to vector<256x256xf32>
    %mul3A_37 = arith.mulf %convert_element_type3A_20, %broadcast_in_dim3A_36 : vector<256x256xf32>
    %dot_general3A_38 = arith.constant dense<0.000000e+00> : vector<256x64xf32>
    %dot_general3A_39 = tpu.matmul %mul3A_37, %get3A_23, %dot_general3A_38 {dimension_numbers = #tpu.dot_dimension_numbers<[1], [0], [0], [1], [0, 0, 1, 1], [], []>, transpose_lhs_hint = false} : vector<256x256xf32>, vector<256x64xf32>, vector<256x64xf32> -> vector<256x64xf32>
    %swap3A_40 = arith.constant 1 : index
    %swap3A_41 = arith.constant 0 : index
    %swap3A_42 = arith.constant 0 : index
    %swap3A_43 = vector.load %arg4[%swap3A_40, %swap3A_41, %swap3A_42] : memref<4x256x64xf32, #tpu.memory_space<vmem>>, vector<1x256x64xf32>
    %swap3A_44 = vector.shape_cast %swap3A_43 : vector<1x256x64xf32> to vector<256x64xf32>
    %swap3A_45 = vector.shape_cast %dot_general3A_39 : vector<256x64xf32> to vector<1x256x64xf32>
    tpu.vector_store %arg4[%swap3A_40, %swap3A_41, %swap3A_42], %swap3A_45 {strides = array<i32>} : memref<4x256x64xf32, #tpu.memory_space<vmem>>, vector<1x256x64xf32>,
    %slice3A_46 = vector.extract_strided_slice %add3A_17 {offsets = [2, 0], sizes = [1, 256], strides = [1, 1]} : vector<4x256xf32> to vector<1x256xf32>
    %broadcast_in_dim3A_47 = vector.shape_cast %slice3A_46 : vector<1x256xf32> to vector<1x256xf32>
    %broadcast_in_dim3A_48 = vector.broadcast %broadcast_in_dim3A_47 : vector<1x256xf32> to vector<256x256xf32>
    %mul3A_49 = arith.mulf %convert_element_type3A_20, %broadcast_in_dim3A_48 : vector<256x256xf32>
    %dot_general3A_50 = arith.constant dense<0.000000e+00> : vector<256x64xf32>
    %dot_general3A_51 = tpu.matmul %mul3A_49, %get3A_23, %dot_general3A_50 {dimension_numbers = #tpu.dot_dimension_numbers<[1], [0], [0], [1], [0, 0, 1, 1], [], []>, transpose_lhs_hint = false} : vector<256x256xf32>, vector<256x64xf32>, vector<256x64xf32> -> vector<256x64xf32>
    %swap3A_52 = arith.constant 2 : index
    %swap3A_53 = arith.constant 0 : index
    %swap3A_54 = arith.constant 0 : index
    %swap3A_55 = vector.load %arg4[%swap3A_52, %swap3A_53, %swap3A_54] : memref<4x256x64xf32, #tpu.memory_space<vmem>>, vector<1x256x64xf32>
    %swap3A_56 = vector.shape_cast %swap3A_55 : vector<1x256x64xf32> to vector<256x64xf32>
    %swap3A_57 = vector.shape_cast %dot_general3A_51 : vector<256x64xf32> to vector<1x256x64xf32>
    tpu.vector_store %arg4[%swap3A_52, %swap3A_53, %swap3A_54], %swap3A_57 {strides = array<i32>} : memref<4x256x64xf32, #tpu.memory_space<vmem>>, vector<1x256x64xf32>,
    %slice3A_58 = vector.extract_strided_slice %add3A_17 {offsets = [3, 0], sizes = [1, 256], strides = [1, 1]} : vector<4x256xf32> to vector<1x256xf32>
    %broadcast_in_dim3A_59 = vector.shape_cast %slice3A_58 : vector<1x256xf32> to vector<1x256xf32>
    %broadcast_in_dim3A_60 = vector.broadcast %broadcast_in_dim3A_59 : vector<1x256xf32> to vector<256x256xf32>
    %mul3A_61 = arith.mulf %convert_element_type3A_20, %broadcast_in_dim3A_60 : vector<256x256xf32>
    %dot_general3A_62 = arith.constant dense<0.000000e+00> : vector<256x64xf32>
    %dot_general3A_63 = tpu.matmul %mul3A_61, %get3A_23, %dot_general3A_62 {dimension_numbers = #tpu.dot_dimension_numbers<[1], [0], [0], [1], [0, 0, 1, 1], [], []>, transpose_lhs_hint = false} : vector<256x256xf32>, vector<256x64xf32>, vector<256x64xf32> -> vector<256x64xf32>
    %swap3A_64 = arith.constant 3 : index
    %swap3A_65 = arith.constant 0 : index
    %swap3A_66 = arith.constant 0 : index
    %swap3A_67 = vector.load %arg4[%swap3A_64, %swap3A_65, %swap3A_66] : memref<4x256x64xf32, #tpu.memory_space<vmem>>, vector<1x256x64xf32>
    %swap3A_68 = vector.shape_cast %swap3A_67 : vector<1x256x64xf32> to vector<256x64xf32>
    %swap3A_69 = vector.shape_cast %dot_general3A_63 : vector<256x64xf32> to vector<1x256x64xf32>
    tpu.vector_store %arg4[%swap3A_64, %swap3A_65, %swap3A_66], %swap3A_69 {strides = array<i32>} : memref<4x256x64xf32, #tpu.memory_space<vmem>>, vector<1x256x64xf32>,
    %dot_general3A_70 = arith.constant dense<0.000000e+00> : vector<4x64xf32>
    %dot_general3A_71 = tpu.matmul %slice3A_18, %get3A_23, %dot_general3A_70 {dimension_numbers = #tpu.dot_dimension_numbers<[1], [0], [0], [1], [0, 0, 1, 1], [], []>, transpose_lhs_hint = false} : vector<4x256xf32>, vector<256x64xf32>, vector<4x64xf32> -> vector<4x64xf32>
    %swap3A_72 = arith.constant 0 : index
    %swap3A_73 = arith.constant 0 : index
    %swap3A_74 = vector.load %arg5[%swap3A_72, %swap3A_73] : memref<4x64xf32, #tpu.memory_space<vmem>>, vector<4x64xf32>
    tpu.vector_store %arg5[%swap3A_72, %swap3A_73], %dot_general3A_71 {strides = array<i32>} : memref<4x64xf32, #tpu.memory_space<vmem>>, vector<4x64xf32>,
    return
  }
}

module attributes {stable_mosaic.version = 14 : i64} {
  func.func @_ffn_kernel(%arg0: i32, %arg1: i32, %arg2: memref<1x1000x128xf32, #tpu.memory_space<vmem>>, %arg3: memref<32x256xbf16, #tpu.memory_space<vmem>>, %arg4: memref<32x256xbf16, #tpu.memory_space<vmem>>, %arg5: memref<1x256x64xbf16, #tpu.memory_space<vmem>>, %arg6: memref<1x1x256xf32, #tpu.memory_space<vmem>>, %arg7: memref<1x128xf32, #tpu.memory_space<vmem>>, %arg8: memref<1x128xf32, #tpu.memory_space<vmem>>, %arg9: memref<1000x128xf32, #tpu.memory_space<vmem>>, %arg10: memref<1000x128xf32, #tpu.memory_space<vmem>>, %arg11: memref<128x128xbf16, #tpu.memory_space<vmem>>, %arg12: memref<1x1000x256xf32, #tpu.memory_space<vmem>>) attributes {dimension_semantics = [#tpu.dimension_semantics<parallel>, #tpu.dimension_semantics<arbitrary>], iteration_bounds = array<i64: 4, 25>, scalar_prefetch = 0 : i64, scratch_operands = 0 : i64, tpu.core_type = #tpu.core_type<tc>, window_params = [{transform_indices = @transform_0, window_bounds = array<i64: 1, 1000, 128>}, {pipeline_mode = #tpu.pipeline_mode<synchronous>, transform_indices = @transform_1, window_bounds = array<i64: 32, 256>}, {pipeline_mode = #tpu.pipeline_mode<synchronous>, transform_indices = @transform_2, window_bounds = array<i64: 32, 256>}, {transform_indices = @transform_3, window_bounds = array<i64: 1, 256, 64>}, {transform_indices = @transform_4, window_bounds = array<i64: 1, 1, 256>}, {pipeline_mode = #tpu.pipeline_mode<synchronous>, transform_indices = @transform_5, window_bounds = array<i64: 1, 128>}, {pipeline_mode = #tpu.pipeline_mode<synchronous>, transform_indices = @transform_6, window_bounds = array<i64: 1, 128>}, {pipeline_mode = #tpu.pipeline_mode<synchronous>, transform_indices = @transform_7, window_bounds = array<i64: 1000, 128>}, {pipeline_mode = #tpu.pipeline_mode<synchronous>, transform_indices = @transform_8, window_bounds = array<i64: 1000, 128>}, {pipeline_mode = #tpu.pipeline_mode<synchronous>, transform_indices = @transform_9, window_bounds = array<i64: 128, 128>}, {transform_indices = @transform_10, window_bounds = array<i64: 1, 1000, 256>}]} {
    %get3A = arith.constant 0 : index
    %get3A_0 = arith.constant 0 : index
    %get3A_1 = arith.constant 0 : index
    %get3A_2 = vector.load %arg2[%get3A, %get3A_0, %get3A_1] : memref<1x1000x128xf32, #tpu.memory_space<vmem>>, vector<1x1000x128xf32>
    %get3A_3 = vector.shape_cast %get3A_2 : vector<1x1000x128xf32> to vector<1000x128xf32>
    %mul3A = arith.constant 4000 : i32
    %mul3A_4 = arith.muli %arg1, %mul3A : i32
    %convert_element_type3A = arith.sitofp %mul3A_4 : i32 to f32
    %get3A_5 = arith.constant 0 : index
    %get3A_6 = arith.constant 0 : index
    %get3A_7 = vector.load %arg7[%get3A_5, %get3A_6] : memref<1x128xf32, #tpu.memory_space<vmem>>, vector<1x128xf32>
    %mul3A_8 = vector.broadcast %convert_element_type3A : f32 to vector<1x128xf32>
    %mul3A_9 = arith.mulf %mul3A_8, %get3A_7 : vector<1x128xf32>
    %sin3A = math.sin %mul3A_9 : vector<1x128xf32>
    %cos3A = math.cos %mul3A_9 : vector<1x128xf32>
    %get3A_10 = arith.constant 0 : index
    %get3A_11 = arith.constant 0 : index
    %get3A_12 = vector.load %arg8[%get3A_10, %get3A_11] : memref<1x128xf32, #tpu.memory_space<vmem>>, vector<1x128xf32>
    %mul3A_13 = arith.mulf %get3A_12, %sin3A : vector<1x128xf32>
    %sub3A = arith.constant 1.000000e+00 : f32
    %sub3A_14 = vector.broadcast %sub3A : f32 to vector<1x128xf32>
    %sub3A_15 = arith.subf %sub3A_14, %get3A_12 : vector<1x128xf32>
    %mul3A_16 = arith.mulf %sub3A_15, %cos3A : vector<1x128xf32>
    %add3A = arith.addf %mul3A_13, %mul3A_16 : vector<1x128xf32>
    %mul3A_17 = arith.mulf %get3A_12, %cos3A : vector<1x128xf32>
    %sub3A_18 = arith.constant 1.000000e+00 : f32
    %sub3A_19 = vector.broadcast %sub3A_18 : f32 to vector<1x128xf32>
    %sub3A_20 = arith.subf %sub3A_19, %get3A_12 : vector<1x128xf32>
    %mul3A_21 = arith.mulf %sub3A_20, %sin3A : vector<1x128xf32>
    %sub3A_22 = arith.subf %mul3A_17, %mul3A_21 : vector<1x128xf32>
    %get3A_23 = arith.constant 0 : index
    %get3A_24 = arith.constant 0 : index
    %get3A_25 = vector.load %arg10[%get3A_23, %get3A_24] : memref<1000x128xf32, #tpu.memory_space<vmem>>, vector<1000x128xf32>
    %mul3A_26 = vector.broadcast %add3A : vector<1x128xf32> to vector<1000x128xf32>
    %mul3A_27 = arith.mulf %mul3A_26, %get3A_25 : vector<1000x128xf32>
    %get3A_28 = arith.constant 0 : index
    %get3A_29 = arith.constant 0 : index
    %get3A_30 = vector.load %arg9[%get3A_28, %get3A_29] : memref<1000x128xf32, #tpu.memory_space<vmem>>, vector<1000x128xf32>
    %mul3A_31 = vector.broadcast %sub3A_22 : vector<1x128xf32> to vector<1000x128xf32>
    %mul3A_32 = arith.mulf %mul3A_31, %get3A_30 : vector<1000x128xf32>
    %add3A_33 = arith.addf %mul3A_27, %mul3A_32 : vector<1000x128xf32>
    %mul3A_34 = arith.mulf %get3A_3, %get3A_3 : vector<1000x128xf32>
    %convert_element_type3A_35 = arith.truncf %mul3A_34 : vector<1000x128xf32> to vector<1000x128xbf16>
    %get3A_36 = arith.constant 0 : index
    %get3A_37 = arith.constant 0 : index
    %get3A_38 = vector.load %arg11[%get3A_36, %get3A_37] : memref<128x128xbf16, #tpu.memory_space<vmem>>, vector<128x128xbf16>
    %dot_general3A = arith.constant dense<0.000000e+00> : vector<1000x128xf32>
    %dot_general3A_39 = tpu.matmul %convert_element_type3A_35, %get3A_38, %dot_general3A {dimension_numbers = #tpu.dot_dimension_numbers<[1], [0], [0], [1], [0, 0, 1, 1], [], []>, transpose_lhs_hint = false} : vector<1000x128xbf16>, vector<128x128xbf16>, vector<1000x128xf32> -> vector<1000x128xf32>
    %add3A_40 = arith.constant 2.500000e-01 : f32
    %add3A_41 = vector.broadcast %add3A_40 : f32 to vector<1000x128xf32>
    %add3A_42 = arith.addf %dot_general3A_39, %add3A_41 : vector<1000x128xf32>
    %rsqrt3A = math.rsqrt %add3A_42 : vector<1000x128xf32>
    %mul3A_43 = arith.mulf %get3A_3, %rsqrt3A : vector<1000x128xf32>
    %convert_element_type3A_44 = arith.truncf %mul3A_43 : vector<1000x128xf32> to vector<1000x128xbf16>
    %mul3A_45 = arith.mulf %add3A_33, %rsqrt3A : vector<1000x128xf32>
    %convert_element_type3A_46 = arith.truncf %mul3A_45 : vector<1000x128xf32> to vector<1000x128xbf16>
    %get3A_47 = arith.constant 0 : index
    %get3A_48 = arith.constant 0 : index
    %get3A_49 = vector.load %arg3[%get3A_47, %get3A_48] : memref<32x256xbf16, #tpu.memory_space<vmem>>, vector<32x256xbf16>
    %get3A_50 = arith.constant 0 : index
    %get3A_51 = arith.constant 0 : index
    %get3A_52 = vector.load %arg4[%get3A_50, %get3A_51] : memref<32x256xbf16, #tpu.memory_space<vmem>>, vector<32x256xbf16>
    %get3A_53 = arith.constant 0 : index
    %get3A_54 = arith.constant 0 : index
    %get3A_55 = arith.constant 0 : index
    %get3A_56 = vector.load %arg5[%get3A_53, %get3A_54, %get3A_55] : memref<1x256x64xbf16, #tpu.memory_space<vmem>>, vector<1x256x64xbf16>
    %get3A_57 = vector.shape_cast %get3A_56 : vector<1x256x64xbf16> to vector<256x64xbf16>
    %slice3A = vector.extract_strided_slice %convert_element_type3A_44 {offsets = [0, 0], sizes = [1000, 32], strides = [1, 1]} : vector<1000x128xbf16> to vector<1000x32xbf16>
    %slice3A_58 = vector.extract_strided_slice %convert_element_type3A_46 {offsets = [0, 0], sizes = [1000, 32], strides = [1, 1]} : vector<1000x128xbf16> to vector<1000x32xbf16>
    %dot_general3A_59 = arith.constant dense<0.000000e+00> : vector<1000x256xf32>
    %dot_general3A_60 = tpu.matmul %slice3A, %get3A_49, %dot_general3A_59 {dimension_numbers = #tpu.dot_dimension_numbers<[1], [0], [0], [1], [0, 0, 1, 1], [], []>, transpose_lhs_hint = false} : vector<1000x32xbf16>, vector<32x256xbf16>, vector<1000x256xf32> -> vector<1000x256xf32>
    %dot_general3A_61 = arith.constant dense<0.000000e+00> : vector<1000x256xf32>
    %dot_general3A_62 = tpu.matmul %slice3A_58, %get3A_52, %dot_general3A_61 {dimension_numbers = #tpu.dot_dimension_numbers<[1], [0], [0], [1], [0, 0, 1, 1], [], []>, transpose_lhs_hint = false} : vector<1000x32xbf16>, vector<32x256xbf16>, vector<1000x256xf32> -> vector<1000x256xf32>
    %add3A_63 = arith.addf %dot_general3A_60, %dot_general3A_62 : vector<1000x256xf32>
    %mul3A_64 = arith.constant 5.000000e-01 : f32
    %mul3A_65 = vector.broadcast %mul3A_64 : f32 to vector<1000x256xf32>
    %mul3A_66 = arith.mulf %mul3A_65, %add3A_63 : vector<1000x256xf32>
    %tanh3A = math.tanh %mul3A_66 : vector<1000x256xf32>
    %mul3A_67 = arith.constant 5.000000e-01 : f32
    %mul3A_68 = vector.broadcast %mul3A_67 : f32 to vector<1000x256xf32>
    %mul3A_69 = arith.mulf %mul3A_68, %tanh3A : vector<1000x256xf32>
    %add3A_70 = arith.constant 5.000000e-01 : f32
    %add3A_71 = vector.broadcast %add3A_70 : f32 to vector<1000x256xf32>
    %add3A_72 = arith.addf %add3A_71, %mul3A_69 : vector<1000x256xf32>
    %mul3A_73 = arith.mulf %add3A_63, %add3A_72 : vector<1000x256xf32>
    %convert_element_type3A_74 = arith.truncf %mul3A_73 : vector<1000x256xf32> to vector<1000x256xbf16>
    %dot_general3A_75 = arith.constant dense<0.000000e+00> : vector<1000x64xf32>
    %dot_general3A_76 = tpu.matmul %convert_element_type3A_74, %get3A_57, %dot_general3A_75 {dimension_numbers = #tpu.dot_dimension_numbers<[1], [0], [0], [1], [0, 0, 1, 1], [], []>, transpose_lhs_hint = false} : vector<1000x256xbf16>, vector<256x64xbf16>, vector<1000x64xf32> -> vector<1000x64xf32>
    %slice3A_77 = vector.extract_strided_slice %convert_element_type3A_44 {offsets = [0, 32], sizes = [1000, 32], strides = [1, 1]} : vector<1000x128xbf16> to vector<1000x32xbf16>
    %slice3A_78 = vector.extract_strided_slice %convert_element_type3A_46 {offsets = [0, 32], sizes = [1000, 32], strides = [1, 1]} : vector<1000x128xbf16> to vector<1000x32xbf16>
    %dot_general3A_79 = arith.constant dense<0.000000e+00> : vector<1000x256xf32>
    %dot_general3A_80 = tpu.matmul %slice3A_77, %get3A_49, %dot_general3A_79 {dimension_numbers = #tpu.dot_dimension_numbers<[1], [0], [0], [1], [0, 0, 1, 1], [], []>, transpose_lhs_hint = false} : vector<1000x32xbf16>, vector<32x256xbf16>, vector<1000x256xf32> -> vector<1000x256xf32>
    %dot_general3A_81 = arith.constant dense<0.000000e+00> : vector<1000x256xf32>
    %dot_general3A_82 = tpu.matmul %slice3A_78, %get3A_52, %dot_general3A_81 {dimension_numbers = #tpu.dot_dimension_numbers<[1], [0], [0], [1], [0, 0, 1, 1], [], []>, transpose_lhs_hint = false} : vector<1000x32xbf16>, vector<32x256xbf16>, vector<1000x256xf32> -> vector<1000x256xf32>
    %add3A_83 = arith.addf %dot_general3A_80, %dot_general3A_82 : vector<1000x256xf32>
    %mul3A_84 = arith.constant 5.000000e-01 : f32
    %mul3A_85 = vector.broadcast %mul3A_84 : f32 to vector<1000x256xf32>
    %mul3A_86 = arith.mulf %mul3A_85, %add3A_83 : vector<1000x256xf32>
    %tanh3A_87 = math.tanh %mul3A_86 : vector<1000x256xf32>
    %mul3A_88 = arith.constant 5.000000e-01 : f32
    %mul3A_89 = vector.broadcast %mul3A_88 : f32 to vector<1000x256xf32>
    %mul3A_90 = arith.mulf %mul3A_89, %tanh3A_87 : vector<1000x256xf32>
    %add3A_91 = arith.constant 5.000000e-01 : f32
    %add3A_92 = vector.broadcast %add3A_91 : f32 to vector<1000x256xf32>
    %add3A_93 = arith.addf %add3A_92, %mul3A_90 : vector<1000x256xf32>
    %mul3A_94 = arith.mulf %add3A_83, %add3A_93 : vector<1000x256xf32>
    %convert_element_type3A_95 = arith.truncf %mul3A_94 : vector<1000x256xf32> to vector<1000x256xbf16>
    %dot_general3A_96 = arith.constant dense<0.000000e+00> : vector<1000x64xf32>
    %dot_general3A_97 = tpu.matmul %convert_element_type3A_95, %get3A_57, %dot_general3A_96 {dimension_numbers = #tpu.dot_dimension_numbers<[1], [0], [0], [1], [0, 0, 1, 1], [], []>, transpose_lhs_hint = false} : vector<1000x256xbf16>, vector<256x64xbf16>, vector<1000x64xf32> -> vector<1000x64xf32>
    %slice3A_98 = vector.extract_strided_slice %convert_element_type3A_44 {offsets = [0, 64], sizes = [1000, 32], strides = [1, 1]} : vector<1000x128xbf16> to vector<1000x32xbf16>
    %slice3A_99 = vector.extract_strided_slice %convert_element_type3A_46 {offsets = [0, 64], sizes = [1000, 32], strides = [1, 1]} : vector<1000x128xbf16> to vector<1000x32xbf16>
    %dot_general3A_100 = arith.constant dense<0.000000e+00> : vector<1000x256xf32>
    %dot_general3A_101 = tpu.matmul %slice3A_98, %get3A_49, %dot_general3A_100 {dimension_numbers = #tpu.dot_dimension_numbers<[1], [0], [0], [1], [0, 0, 1, 1], [], []>, transpose_lhs_hint = false} : vector<1000x32xbf16>, vector<32x256xbf16>, vector<1000x256xf32> -> vector<1000x256xf32>
    %dot_general3A_102 = arith.constant dense<0.000000e+00> : vector<1000x256xf32>
    %dot_general3A_103 = tpu.matmul %slice3A_99, %get3A_52, %dot_general3A_102 {dimension_numbers = #tpu.dot_dimension_numbers<[1], [0], [0], [1], [0, 0, 1, 1], [], []>, transpose_lhs_hint = false} : vector<1000x32xbf16>, vector<32x256xbf16>, vector<1000x256xf32> -> vector<1000x256xf32>
    %add3A_104 = arith.addf %dot_general3A_101, %dot_general3A_103 : vector<1000x256xf32>
    %mul3A_105 = arith.constant 5.000000e-01 : f32
    %mul3A_106 = vector.broadcast %mul3A_105 : f32 to vector<1000x256xf32>
    %mul3A_107 = arith.mulf %mul3A_106, %add3A_104 : vector<1000x256xf32>
    %tanh3A_108 = math.tanh %mul3A_107 : vector<1000x256xf32>
    %mul3A_109 = arith.constant 5.000000e-01 : f32
    %mul3A_110 = vector.broadcast %mul3A_109 : f32 to vector<1000x256xf32>
    %mul3A_111 = arith.mulf %mul3A_110, %tanh3A_108 : vector<1000x256xf32>
    %add3A_112 = arith.constant 5.000000e-01 : f32
    %add3A_113 = vector.broadcast %add3A_112 : f32 to vector<1000x256xf32>
    %add3A_114 = arith.addf %add3A_113, %mul3A_111 : vector<1000x256xf32>
    %mul3A_115 = arith.mulf %add3A_104, %add3A_114 : vector<1000x256xf32>
    %convert_element_type3A_116 = arith.truncf %mul3A_115 : vector<1000x256xf32> to vector<1000x256xbf16>
    %dot_general3A_117 = arith.constant dense<0.000000e+00> : vector<1000x64xf32>
    %dot_general3A_118 = tpu.matmul %convert_element_type3A_116, %get3A_57, %dot_general3A_117 {dimension_numbers = #tpu.dot_dimension_numbers<[1], [0], [0], [1], [0, 0, 1, 1], [], []>, transpose_lhs_hint = false} : vector<1000x256xbf16>, vector<256x64xbf16>, vector<1000x64xf32> -> vector<1000x64xf32>
    %slice3A_119 = vector.extract_strided_slice %convert_element_type3A_44 {offsets = [0, 96], sizes = [1000, 32], strides = [1, 1]} : vector<1000x128xbf16> to vector<1000x32xbf16>
    %slice3A_120 = vector.extract_strided_slice %convert_element_type3A_46 {offsets = [0, 96], sizes = [1000, 32], strides = [1, 1]} : vector<1000x128xbf16> to vector<1000x32xbf16>
    %dot_general3A_121 = arith.constant dense<0.000000e+00> : vector<1000x256xf32>
    %dot_general3A_122 = tpu.matmul %slice3A_119, %get3A_49, %dot_general3A_121 {dimension_numbers = #tpu.dot_dimension_numbers<[1], [0], [0], [1], [0, 0, 1, 1], [], []>, transpose_lhs_hint = false} : vector<1000x32xbf16>, vector<32x256xbf16>, vector<1000x256xf32> -> vector<1000x256xf32>
    %dot_general3A_123 = arith.constant dense<0.000000e+00> : vector<1000x256xf32>
    %dot_general3A_124 = tpu.matmul %slice3A_120, %get3A_52, %dot_general3A_123 {dimension_numbers = #tpu.dot_dimension_numbers<[1], [0], [0], [1], [0, 0, 1, 1], [], []>, transpose_lhs_hint = false} : vector<1000x32xbf16>, vector<32x256xbf16>, vector<1000x256xf32> -> vector<1000x256xf32>
    %add3A_125 = arith.addf %dot_general3A_122, %dot_general3A_124 : vector<1000x256xf32>
    %mul3A_126 = arith.constant 5.000000e-01 : f32
    %mul3A_127 = vector.broadcast %mul3A_126 : f32 to vector<1000x256xf32>
    %mul3A_128 = arith.mulf %mul3A_127, %add3A_125 : vector<1000x256xf32>
    %tanh3A_129 = math.tanh %mul3A_128 : vector<1000x256xf32>
    %mul3A_130 = arith.constant 5.000000e-01 : f32
    %mul3A_131 = vector.broadcast %mul3A_130 : f32 to vector<1000x256xf32>
    %mul3A_132 = arith.mulf %mul3A_131, %tanh3A_129 : vector<1000x256xf32>
    %add3A_133 = arith.constant 5.000000e-01 : f32
    %add3A_134 = vector.broadcast %add3A_133 : f32 to vector<1000x256xf32>
    %add3A_135 = arith.addf %add3A_134, %mul3A_132 : vector<1000x256xf32>
    %mul3A_136 = arith.mulf %add3A_125, %add3A_135 : vector<1000x256xf32>
    %convert_element_type3A_137 = arith.truncf %mul3A_136 : vector<1000x256xf32> to vector<1000x256xbf16>
    %dot_general3A_138 = arith.constant dense<0.000000e+00> : vector<1000x64xf32>
    %dot_general3A_139 = tpu.matmul %convert_element_type3A_137, %get3A_57, %dot_general3A_138 {dimension_numbers = #tpu.dot_dimension_numbers<[1], [0], [0], [1], [0, 0, 1, 1], [], []>, transpose_lhs_hint = false} : vector<1000x256xbf16>, vector<256x64xbf16>, vector<1000x64xf32> -> vector<1000x64xf32>
    %concatenate3A = tpu.concatenate %dot_general3A_76, %dot_general3A_97, %dot_general3A_118, %dot_general3A_139 in 1 : vector<1000x64xf32>, vector<1000x64xf32>, vector<1000x64xf32>, vector<1000x64xf32> -> vector<1000x256xf32>
    %get3A_140 = arith.constant 0 : index
    %get3A_141 = arith.constant 0 : index
    %get3A_142 = arith.constant 0 : index
    %get3A_143 = vector.load %arg6[%get3A_140, %get3A_141, %get3A_142] : memref<1x1x256xf32, #tpu.memory_space<vmem>>, vector<1x1x256xf32>
    %get3A_144 = vector.shape_cast %get3A_143 : vector<1x1x256xf32> to vector<1x256xf32>
    %add3A_145 = vector.broadcast %get3A_144 : vector<1x256xf32> to vector<1000x256xf32>
    %add3A_146 = arith.addf %concatenate3A, %add3A_145 : vector<1000x256xf32>
    %swap3A = arith.constant 0 : index
    %swap3A_147 = arith.constant 0 : index
    %swap3A_148 = arith.constant 0 : index
    %swap3A_149 = vector.load %arg12[%swap3A, %swap3A_147, %swap3A_148] : memref<1x1000x256xf32, #tpu.memory_space<vmem>>, vector<1x1000x256xf32>
    %swap3A_150 = vector.shape_cast %swap3A_149 : vector<1x1000x256xf32> to vector<1000x256xf32>
    %swap3A_151 = vector.shape_cast %add3A_146 : vector<1000x256xf32> to vector<1x1000x256xf32>
    tpu.vector_store %arg12[%swap3A, %swap3A_147, %swap3A_148], %swap3A_151 {strides = array<i32>} : memref<1x1000x256xf32, #tpu.memory_space<vmem>>, vector<1x1000x256xf32>,
    return
  }
  func.func @transform_0(%arg0: i32, %arg1: i32) -> (i32, i32, i32) {
    %c0_i32 = arith.constant 0 : i32
    %c0_i32_0 = arith.constant 0 : i32
    return %arg0, %arg1, %c0_i32 : i32, i32, i32
  }
  func.func @transform_1(%arg0: i32, %arg1: i32) -> (i32, i32) {
    %c0_i32 = arith.constant 0 : i32
    %c0_i32_0 = arith.constant 0 : i32
    %c0_i32_1 = arith.constant 0 : i32
    return %c0_i32, %c0_i32_0 : i32, i32
  }
  func.func @transform_2(%arg0: i32, %arg1: i32) -> (i32, i32) {
    %c0_i32 = arith.constant 0 : i32
    %c0_i32_0 = arith.constant 0 : i32
    %c0_i32_1 = arith.constant 0 : i32
    return %c0_i32, %c0_i32_0 : i32, i32
  }
  func.func @transform_3(%arg0: i32, %arg1: i32) -> (i32, i32, i32) {
    %c0_i32 = arith.constant 0 : i32
    %c0_i32_0 = arith.constant 0 : i32
    %c0_i32_1 = arith.constant 0 : i32
    return %arg0, %c0_i32, %c0_i32_0 : i32, i32, i32
  }
  func.func @transform_4(%arg0: i32, %arg1: i32) -> (i32, i32, i32) {
    %c0_i32 = arith.constant 0 : i32
    %c0_i32_0 = arith.constant 0 : i32
    %c0_i32_1 = arith.constant 0 : i32
    return %arg0, %c0_i32, %c0_i32_0 : i32, i32, i32
  }
  func.func @transform_5(%arg0: i32, %arg1: i32) -> (i32, i32) {
    %c0_i32 = arith.constant 0 : i32
    %c0_i32_0 = arith.constant 0 : i32
    %c0_i32_1 = arith.constant 0 : i32
    return %c0_i32, %c0_i32_0 : i32, i32
  }
  func.func @transform_6(%arg0: i32, %arg1: i32) -> (i32, i32) {
    %c0_i32 = arith.constant 0 : i32
    %c0_i32_0 = arith.constant 0 : i32
    %c0_i32_1 = arith.constant 0 : i32
    return %c0_i32, %c0_i32_0 : i32, i32
  }
  func.func @transform_7(%arg0: i32, %arg1: i32) -> (i32, i32) {
    %c0_i32 = arith.constant 0 : i32
    %c0_i32_0 = arith.constant 0 : i32
    %c0_i32_1 = arith.constant 0 : i32
    return %c0_i32, %c0_i32_0 : i32, i32
  }
  func.func @transform_8(%arg0: i32, %arg1: i32) -> (i32, i32) {
    %c0_i32 = arith.constant 0 : i32
    %c0_i32_0 = arith.constant 0 : i32
    %c0_i32_1 = arith.constant 0 : i32
    return %c0_i32, %c0_i32_0 : i32, i32
  }
  func.func @transform_9(%arg0: i32, %arg1: i32) -> (i32, i32) {
    %c0_i32 = arith.constant 0 : i32
    %c0_i32_0 = arith.constant 0 : i32
    %c0_i32_1 = arith.constant 0 : i32
    return %c0_i32, %c0_i32_0 : i32, i32
  }
  func.func @transform_10(%arg0: i32, %arg1: i32) -> (i32, i32, i32) {
    %c0_i32 = arith.constant 0 : i32
    %c0_i32_0 = arith.constant 0 : i32
    return %arg0, %arg1, %c0_i32 : i32, i32, i32
  }
}

</mosaic_0001>

<sc_bundles>
// kernel: sparse-core-data-format-call.cloned.1.call-start
scs
called_computation_lowered:
.L_overlay_start_0:
0x0: {  	s2 =	sld [smem:$0x3FD9]  }
0x1: {  	s3 =	sld [smem:$0x3FFE];
	_ =	sdelay $0x1  }
0x2: {  	s1 =	srdreg.scid  }
0x3: {  	s0 =	sand.u32 $0x1, s1  }
0x4: {  	s18 =	sshll.u32 s0, $0xA;
	s2 =	sadd.s32 s3, s2  }
0x5: {  	s2 =	sadd.s32 s2, s18  }
0x6: {  	[smem:$0x3FC2] =	sst s2  }
0x7: {  	_ = 	snop  }
0x8: {  	s2 =	sld [smem:$0x3FD0];
	(tm) =	ssettm $0x1  }
0x9: {  	s19 =	sld [smem:$0x3FFB];
	_ =	sdelay $0x3  }
0xa: {  	_ =	strace s19  }
0xb: {  	s3 =	sld [smem:$0x3FFC];
	_ =	sdelay $0x3  }
0xc: {  	_ =	strace s3  }
0xd: {  	s3 =	sld [smem:$0x3FFD];
	_ =	sdelay $0x3  }
0xe: {  	_ =	strace s3  }
0xf: {  	_ =	strace $0x8FFFFFFF  }
0x10: {  	s20 =	sld [smem:$0x3FDB];
	_ =	sdelay $0x1  }
0x11: {  	s4 =	simm.s32 $_scs_section_size  }
0x12: {  	s5 =	simm.s32 $_size__tile_overlayer_lowered;
	s6 =	simm.s32 $_tile_overlayer_lowered  }
0x13: {  	s23 =	simm.s32 $0x1BFF;
	s22 =	sshll.u32 s6, $0x1;
	s3 =	sadd.s32 s4, s20  }
0x14: {  	s7 =	simm.s32 $0x0;
	s21 =	sshll.u32 s5, $0x1;
	s5 =	sadd.s32 s22, s3  }
0x15: {  	[timem:s7], [sflag:s23] =	dma.local [hbm:s5], s21  }
0x16: {  	_ =	swait.ge [sflag:s23], s21  }
0x17: {  	s4 =	ssub.s32 $0x0, s21;
	[sflag:s23] =	ssyncset.done $0x0  }
0x18: {  	[sflag:s23] =	ssyncadd.s32 s4;
	_ =	sdelay $0x1  }
0x19: {  	s24 =	simm.s32 $0x1B8B  }
0x1a: {  	_ =	swait.ge [sflag:s24], $0x1  }
0x1b: {  	[sflag:s24] =	ssyncset.done $0x0  }
0x1c: {  	s26 =	simm.s32 $0x1B8E;
	s25 =	sld [smem:$0x3FFE];
	[sflag:s24] =	ssyncadd.s32 $0xFFFFFFFF  }
0x1d: {  	s27 =	simm.s32 $execute0_lowered;
	[smem:$0x3FD2] =	sst s26  }
0x1e: {  	s5 =	sshll.u32 s27, $0x1;
	_ =	strace $0x80000046;
	[dreg:$0x1] =	wrdreg $0xFFFFFFFF  }
0x1f: {  	s28 =	simm.s32 $_size_execute0_lowered;
	s3 =	sadd.s32 s3, s5;
	[dreg:$0x0] =	wrdreg $0x0  }
0x20: {  	s5 =	sshll.u32 s28, $0x1;
	[dreg:$0x2] =	wrdreg s3  }
0x21: {  	[dreg:$0x3] =	wrdreg s5  }
0x22: {  	[dreg:$0x4] =	wrdreg $0xC0  }
0x23: {  	_ =	task [dreg:s7], $0x5FFFF  }
0x24: {  	[dreg:$0x1] =	wrdreg $0xFFFFFFFF  }
0x25: {  	[dreg:$0x0] =	wrdreg $0x60  }
0x26: {  	[dreg:$0x2] =	wrdreg s25  }
0x27: {  	[dreg:$0x3] =	wrdreg s2  }
0x28: {  	[dreg:$0x4] =	wrdreg $0x9  }
0x29: {  	_ =	task.clear_ibuf [dreg:s7], $0x5FFFF;
	_ =	strace $0x90000046  }
0x2a: {  	s29 =	simm.s32 $0x9;
	_ =	strace $0x80000048  }
0x2b: {  	_ =	swait.ge [sflag:s29], $0x1  }
0x2c: {  	[sflag:s29] =	ssyncadd.s32 $0xFFFFFFFF  }
0x2d: {  	_ =	strace $0x90000048  }
0x2e: {  	_ =	sfence  }
0x2f: {  	s30 =	sld [smem:$0x0];
	_ =	sdelay $0x2  }
0x30: {  	s31 =	sshll.u32 s1, $0xD;
	s1 =	sshrl.u32 s1, $0x2  }
0x31: {  	s3 =	sand.u32 $0x4000, s31;
	s1 =	sadd.s32 s1, s30  }
0x32: {  	s0 =	sor.u32 s3, s0;
	s1 =	sshll.u32 s1, $0x11  }
0x33: {  	s0 =	sor.u32 s1, s0  }
0x34: {  	s0 =	sadd.s32 $0x8F2B, s0  }
0x35: {  	[sflag:s0] =	ssyncadd.remote.s32 $0x1  }
0x36: {  	_ =	sfence.sel $0xFFFF  }
0x37: {  	[dreg:$0x0] =	wrdreg $0xFFFFFFFF;
	(pc) =	sbr.abs _section_cstart, $3  }
0x38: {  	[dreg:$0x1] =	wrdreg $0xFFFFFFFF  }
0x39: {  	_ =	task.clear_ibuf [dreg:s7], $0x2FFFF;
	_ =	strace $0x9FFFFFFF  }
0x3a: {  	(tm) =	ssettm $0x7FFFFFFF  }
0x3b: {  	_ =	shalt  }
tec
execute0_lowered:
.L_overlay_start_1:
0x0: {  	(tag) =	ssettag $0x1  }
0x1: {  	s3 =	rddreg [dreg:$0x0]  }
0x2: {  	s2 =	rddreg [dreg:$0x1];
	s1 =	stileid.u32  }
0x3: {  	s4 =	srdreg.scid;
	s0 =	rddreg [dreg:$0x2];
	_ =	strace $0x80000047  }
0x4: {  	s7 =	simm.s32 $0x2;
	s14 =	simm.s32 $0x0;
	p0 =	por $0x0, $0x0  }
0x5: {  	s9 =	simm.s32 $0xC3800;
	s5 =	sshll.u32 s1, $0x5;
	s4 =	sshll.u32 s4, $0x9  }
.Ltmp0:
0x6: {  	s13 =	simm.s32 $0x0;
	s4 =	sor.u32 s5, s4;
	(pc) =	sbr.rel .LBB1_1-.Ltmp0, $4  }
0x7: {  	s12 =	simm.s32 $0x0;
	s5 =	simm.s32 $0x1;
	s4 =	sand.u32 $0x380, s4  }
0x8: {  	s3 =	sadd.s32 $0x1800, s3;
	[sflag:s5] =	ssyncpa.u1 $0x0;
	s8 =	ssub.s32 $0x18680, s4  }
0x9: {  	s6 =	sand.u32 $0x3, s1;
	[sflag:s7] =	ssyncpa.u1 $0x0;
	s7 =	sshrl.u32 s8, $0xA  }
0xa: {  	s11 =	smov.u32 s6;
	s10 =	smov.u32 s4;
	s8 =	sor.u32 $0x2, s7  }
.LBB1_5:
0xb: {  	s15 =	sadd.s32 $0x400, s10  }
0xc: {  	s13 =	sadd.s32 $0x4, s11;
	s17 =	smov.u32 s11;
	p2 =	sgt.s32 s15, $0x1869F  }
0xd: {  	s17 =	smov.u32 @p2 s13  }
0xe: {  	s15 =	smov.u32 @p2 s4;
	p2 =	sgt.s32 s17, $0x3  }
0xf: {  	s17 =	smov.u32 @p2 s6;
	p2 =	sne.s32 s12, s8  }
.Ltmp1:
0x10: {  	p1 =	slt.u32 s12, $0x2;
	(pc) =	sbr.rel @!p2 .LBB1_6-.Ltmp1, $4  }
0x11: {  	s16 =	simm.s32 @!p1 $0x2  }
0x12: {  	s14 =	smov.u32 s10;
	p0 =	por !p0, !p0;
	_ =	swait.ge @!p1 [sflag:s16], $0x2000  }
0x13: {  	s13 =	smov.u32 s11;
	[sflag:s16] =	ssyncset.done @!p1 $0x0;
	s10 =	smov.u32 s15  }
0x14: {  	s12 =	sadd.s32 $0x1, s12;
	[sflag:s16] =	ssyncadd.s32 @!p1 $0xFFFFE000;
	s11 =	smov.u32 s17  }
.LBB1_1:
0x15: {  	p1 =	sgt.u32 s12, s7  }
0x16: {  	s17 =	smov.u32 s11;
	s19 =	smov.u32 s10;
	p2 =	sgt.s32 @!p1 s11, $0x3  }
0x17: {  	s15 =	sand.u32 @!p1 $0x1FFFFFF, s10;
	s18 =	sshra.s32 @!p1 s11, $0x1F;
	p2 =	por !p2, p1  }
0x18: {  	s20 =	sshra.s32 @!p1 s10, $0x1F;
	s17 =	simm.s32 @p2 $0x3;
	p2 =	sgt.s32 @!p1 s10, $0x18620  }
0x19: {  	s16 =	smulhi.u32 @!p1 $0x14F8B59, s15;
	s18 =	sand.u32 @!p1 s18, s11;
	p2 =	por !p2, p1  }
0x1a: {  	s17 =	ssub.s32 @!p1 s17, s18;
	s18 =	sand.u32 @!p1 s20, s10;
	s19 =	simm.s32 @p2 $0x18620  }
0x1b: {  	s17 =	sadd.s32 @!p1 $0xFFFFFFFD, s17;
	s18 =	ssub.s32 @!p1 s19, s18  }
0x1c: {  	s16 =	sshrl.u32 @!p1 s16, $0x9;
	p2 =	sgt.s32 @!p1 s17, $0x0;
	s19 =	sadd.s32 @!p1 $0xFFFE79E0, s18  }
0x1d: {  	s17 =	sshll.u32 @!p1 s17, $0x6;
	s18 =	ssub.s32 @!p1 $0x186A0, s18;
	p3 =	sgt.s32 @!p1 s19, $0x7F  }
0x1e: {  	s17 =	ssub.s32 @!p1 $0x40, s17;
	p2 =	por !p2, p1;
	p3 =	por !p3, p1  }
0x1f: {  	s16 =	smul.u32 @!p1 $0x186A0, s16;
	s17 =	simm.s32 @!p2 $0x0;
	s18 =	simm.s32 @!p3 $0x0  }
0x20: {  	s19 =	sxor.u32 @!p1 $0xFFFFFFFF, s12;
	s17 =	smul.u32 @!p1 s18, s17  }
0x21: {  	s15 =	ssub.s32 @!p1 s15, s16;
	s18 =	sshll.u32 @!p1 s19, $0xD;
	s19 =	smul.u32 @!p1 $0x186A00, s11  }
0x22: {  	s15 =	sshll.u32 @!p1 s15, $0x4  }
0x23: {  	s18 =	sand.u32 @!p1 $0x2000, s18;
	s16 =	sand.u32 @!p1 $0x3FFFFFC0, s17;
	s17 =	sadd.s32 @!p1 s3, s19  }
0x24: {  	s19 =	simm.s32 @!p1 $0x80;
	s15 =	sadd.s32 @!p1 s15, s17;
	s17 =	simm.s32 @!p1 $0x40  }
0x25: {  	[tilespmem:s18], [sflag:$0x1] =	stream.strided.gather @!p1 [hbm4b:s15+s17], s16, s19, s17, $0x38;
	[tilespmem:$0x8080] =	vst v63  }
0x26: {  	p1 =	seq.s32 s12, $0x0  }
0x27: {  	p2 =	sge.u32 @!p1 s12, s8  }
0x28: {  	p1 =	por p1, p2  }
.Ltmp2:
0x29: {  	_ = 	snop;
	(pc) =	sbr.rel @p1 .LBB1_5-.Ltmp2, $1  }
0x2a: {  	_ =	sdelay $0x3  }
0x2b: {  	p1 =	sgt.s32 s13, $0x3;
	s15 =	smov.u32 s13  }
0x2c: {  	s16 =	sshra.s32 s13, $0x1F;
	s17 =	smov.u32 s14;
	s18 =	sshra.s32 s14, $0x1F  }
0x2d: {  	s15 =	simm.s32 @!p1 $0x3;
	s16 =	sand.u32 s16, s13;
	p1 =	sgt.s32 s14, $0x18620  }
0x2e: {  	s27 =	sand.u32 s18, s14;
	s15 =	ssub.s32 s15, s16;
	s17 =	simm.s32 @!p1 $0x18620  }
0x2f: {  	s15 =	sadd.s32 $0xFFFFFFFD, s15;
	s16 =	ssub.s32 s17, s27  }
0x30: {  	p1 =	sgt.s32 s15, $0x0;
	s17 =	sadd.s32 $0xFFFE79E0, s16;
	s15 =	sshll.u32 s15, $0x6  }
0x31: {  	s16 =	ssub.s32 $0x186A0, s16;
	p2 =	sgt.s32 s17, $0x7F;
	s15 =	ssub.s32 $0x40, s15  }
0x32: {  	s16 =	simm.s32 @p2 $0x0;
	s15 =	simm.s32 @p1 $0x0  }
0x33: {  	s15 =	smul.u32 s16, s15;
	_ =	sdelay $0x1  }
0x34: {  	s16 =	simm.s32 $0x1;
	s15 =	sand.u32 $0x3FFFFFC0, s15  }
0x35: {  	s16 =	simm.s32 @!p0 $0x0;
	_ =	swait.ge [sflag:s5], s15  }
0x36: {  	s28 =	sshll.u32 s16, $0xD;
	s15 =	ssub.s32 $0x0, s15;
	[sflag:s5] =	ssyncset.done $0x0  }
0x37: {  	s19 =	sor.u32 $0x20, s28;
	[sflag:s5] =	ssyncadd.s32 s15  }
0x38: {  	s29 =	smul.u32 $0x8100, s16;
	v3 =	vld [tilespmem:s19+$0x10]  }
0x39: {  	s30 =	sand.u32 $0x1, s12;
	v2 =	vld [tilespmem:s19+$0xFFFFFFF0]  }
0x3a: {  	s16 =	smul.u32 $0x8100, s30;
	s15 =	sshrl.u32 s29, $0x2;
	v0 =	vld [tilespmem:s19+$0x0]  }
0x3b: {  	s17 =	sor.u32 $0x4000, s15;
	v1 =	vld [tilespmem:s19+$0xFFFFFFE0]  }
0x3c: {  	s31 =	sshrl.u32 s16, $0x2;
	s16 =	sadd.s32 $0x0, s17  }
0x3d: {  	s18 =	simm.s32 $0x4;
	s15 =	sor.u32 $0x4000, s31;
	s19 =	sadd.s32 $0x40, s19;
	[tilespmem:s16+$0x1830 ss:$0x81] =	vst.msk $0xffff, v3  }
.LBB1_3:
0x3e: {  	v3 =	vld [tilespmem:s19+$0x10];
	p1 =	sne.s32 s18, $0x1FC;
	[tilespmem:s16+$0x810 ss:$0x81] =	vst.msk $0xffff, v2;
	s20 =	smov.u32 s18;
	s18 =	sadd.s32 $0x4, s18  }
.Ltmp3:
0x3f: {  	v2 =	vld [tilespmem:s19+$0xFFFFFFF0];
	[tilespmem:s16+$0x1020 ss:$0x81] =	vst.msk $0xffff, v0;
	(pc) =	sbr.rel @p1 .LBB1_3-.Ltmp3, $4  }
0x40: {  	v0 =	vld [tilespmem:s19+$0x0];
	[tilespmem:s16+$0x0 ss:$0x81] =	vst.msk $0xffff, v1  }
0x41: {  	s16 =	sshra.s32 s20, $0x2;
	v1 =	vld [tilespmem:s19+$0xFFFFFFE0]  }
0x42: {  	s16 =	sadd.s32 s16, s17  }
0x43: {  	s19 =	sadd.s32 $0x40, s19;
	[tilespmem:s16+$0x1830 ss:$0x81] =	vst.msk $0xffff, v3  }
0x44: {  	s17 =	sshll.u32 s14, $0x3  }
0x45: {  	s29 =	sand.u32 $0x7F, s14;
	s17 =	sand.u32 $0xFFFFFC00, s17  }
0x46: {  	s14 =	sor.u32 s29, s17;
	s17 =	smulhi.u32 $0xA79C7B17, s17  }
0x47: {  	s18 =	smulhi.u32 $0xA79C7B17, s14;
	_ =	sdelay $0x1  }
0x48: {  	s13 =	smul.u32 $0xC3800, s13;
	s17 =	sshrl.u32 s17, $0x10;
	s18 =	sshrl.u32 s18, $0x10  }
0x49: {  	s17 =	sand.u32 $0x3F, s17;
	s18 =	smul.u32 $0x18700, s18  }
0x4a: {  	s17 =	smul.u32 $0x30E0, s17  }
.Ltmp4:
0x4b: {  	s14 =	ssub.s32 s14, s18;
	(pc) =	sbr.rel .LBB1_5-.Ltmp4, $4  }
0x4c: {  	[tilespmem:s16+$0x810 ss:$0x81] =	vst.msk $0xffff, v2;
	s13 =	sadd.s32 s2, s13;
	s18 =	sand.u32 $0x7, s14  }
0x4d: {  	[tilespmem:s16+$0x1020 ss:$0x81] =	vst.msk $0xffff, v0;
	s13 =	sadd.s32 s17, s13;
	s14 =	sshrl.u32 s14, $0x3;
	s30 =	sshll.u32 s18, $0x12  }
0x4e: {  	[tilespmem:s16+$0x0 ss:$0x81] =	vst.msk $0xffff, v1;
	s13 =	sadd.s32 s14, s13;
	s31 =	sor.u32 $0x400, s30  }
0x4f: {  	[hbm4b:s13+s31] =	stream.strided.scatter [tilespmem:s15], [sflag:$0x2], $0x2000, s9, s31, $0x20;
	[tilespmem:$0x8080] =	vst v63  }
.LBB1_6:
0x50: {  	_ =	sfence.sel $0x180000  }
0x51: {  	s2 =	simm.s32 $0x1;
	[bflag:$0x0] =	sbarrier.arrive $0xFFFF  }
0x52: {  	s31 =	simm.s32 $0x2;
	[sflag:s2] =	ssyncpa.u1 $0x1  }
0x53: {  	[sflag:s31] =	ssyncpa.u1 $0x1  }
0x54: {  	p0 =	sne.s32 s1, $0x0;
	_ =	strace $0x90000047  }
0x55: {  	s0 =	sadd.s32 @!p0 $0x100000, s0;
	[bflag:$0x2] =	sbarrier.arrive $0xFFFF  }
0x56: {  	[sflag:s0] =	ssyncadd.tile.s32 @!p0 $0x1;
	_ =	shalt  }
.Lfunc_end1:
_tile_overlayer_lowered:
.L_overlay_start_2:
0x57: {  	(tag) =	ssettag $0x2  }
0x58: {  	s0 =	rddreg [dreg:$0x0];
	s2 =	stileid.u32  }
0x59: {  	s1 =	rddreg [dreg:$0x1];
	p0 =	sne.s32 s2, $0x0  }
0x5a: {  	s3 =	rddreg [dreg:$0x2];
	[bflag:$0x3] =	sbarrier.arrive $0xFFFF;
	s2 =	simm.s32 @!p0 $0x1C01  }
0x5b: {  	[timem:s3], [sflag:s2] =	dma.local @!p0 [hbm:s0], s1  }
0x5c: {  	s0 =	simm.s32 @!p0 $0x1  }
0x5d: {  	_ =	swait.ge @!p0 [sflag:s0], s1  }
0x5e: {  	s1 =	ssub.s32 @!p0 $0x0, s1;
	[sflag:s0] =	ssyncset.done @!p0 $0x0  }
0x5f: {  	[sflag:s0] =	ssyncadd.s32 @!p0 s1  }
0x60: {  	[bflag:$0x3] =	sbarrier.arrive $0xFFFF  }
0x61: {  	_ =	shalt  }

</sc_bundles>
